<compile_context>
chip_gen: v7x
topology: tpu7x:2x2x1
jax: 0.10.2.dev20260603
libtpu: 0.0.44.dev20260713+nightly
codegen_flags: <defaults>
</compile_context>

<pallas_src>
import functools

import jax
import jax.numpy as jnp
from jax import lax
from jax.experimental import pallas as pl
from jax.experimental.pallas import tpu as pltpu
from jax.experimental.pallas import tpu_sc as plsc

_NE = 1024
_D = 64
_N_BLK = 4096


def _vq_body(z_ref, wp_ref, idx_ref, sse_ref):
    zb = z_ref[0]
    wp = wp_ref[...]
    wm2 = wp * (-2.0)
    w2 = jnp.sum(wp * wp, axis=1)[:, None]
    mT = lax.dot_general(wm2, zb, (((1,), (0,)), ((), ())),
                         preferred_element_type=jnp.float32)
    z2 = jnp.sum(zb * zb, axis=0)[None, :]
    d = (z2 + mT) + w2
    g = jnp.argmin(d, axis=0)
    minv = jnp.min(d, axis=0)
    o = g & 7
    r = jnp.where(o == 0, 0, jnp.where(o == 1, 7, jnp.where(
        o == 2, 3, jnp.where(o == 3, 5, jnp.where(
            o == 4, 1, jnp.where(o == 5, 6, jnp.where(o == 6, 2, 4)))))))
    idx = (r << 7) | (g >> 3)
    idx_ref[...] = idx.reshape(1, 1, 1, _N_BLK)
    p = jnp.sum(minv)
    first = (pl.program_id(0) == 0) & (pl.program_id(1) == 0)

    @pl.when(first)
    def _():
        sse_ref[0, 0] = 0.0

    sse_ref[0, 0] = sse_ref[0, 0] + p


_NW = 32
_B_PER_W = 1024
_CH = 8


def _sc_gather_body(w_hbm, idx_hbm, out_hbm, idx_v, rows_v, sem):
    wid = lax.axis_index("s") * 2 + lax.axis_index("c")
    pltpu.sync_copy(idx_hbm.at[wid], idx_v)
    copies = [
        pltpu.async_copy(w_hbm.at[idx_v.at[j]], rows_v.at[j], sem)
        for j in range(_CH)
    ]
    for c in copies:
        c.wait()
    pltpu.sync_copy(rows_v, out_hbm.at[wid])


def _sc_gather(W, idx3):
    mesh = plsc.VectorSubcoreMesh(core_axis_name="c", subcore_axis_name="s")
    k = functools.partial(
        pl.kernel,
        mesh=mesh,
        compiler_params=pltpu.CompilerParams(use_tc_tiling_on_sc=False),
        out_type=jax.ShapeDtypeStruct((_NW, _CH, _B_PER_W // _CH, _D),
                                      jnp.float32),
        scratch_types=[
            pltpu.VMEM((_CH, _B_PER_W // _CH), jnp.int32),
            pltpu.VMEM((_CH, _B_PER_W // _CH, _D), jnp.float32),
            pltpu.SemaphoreType.DMA,
        ],
    )(_sc_gather_body)
    return k(W, idx3)


def kernel(z, W):
    B, C, T, H, Wd = z.shape
    S = T * H * Wd
    z3 = z.reshape(B, C, S)
    rank = jnp.array([0, 7, 3, 5, 1, 6, 2, 4], jnp.int32)
    pos = jnp.arange(_NE, dtype=jnp.int32)
    cmap = rank[pos & 7] * (_NE // 8) + (pos >> 3)
    Wp = W[cmap]
    nb = S // _N_BLK
    idx4, sse = pl.pallas_call(
        _vq_body,
        grid=(B, nb),
        in_specs=[
            pl.BlockSpec((1, C, _N_BLK), lambda b, n: (b, 0, n)),
            pl.BlockSpec((_NE, _D), lambda b, n: (0, 0)),
        ],
        out_specs=[
            pl.BlockSpec((1, 1, 1, _N_BLK), lambda b, n: (b, n, 0, 0)),
            pl.BlockSpec(memory_space=pltpu.SMEM),
        ],
        out_shape=[
            jax.ShapeDtypeStruct((B, nb, 1, _N_BLK), jnp.int32),
            jax.ShapeDtypeStruct((1, 1), jnp.float32),
        ],
    )(z3, Wp)
    indices = idx4.reshape(B, T, H, Wd)
    idx3 = idx4.reshape(_NW, _CH, _B_PER_W // _CH)
    zq_rows = _sc_gather(W, idx3).reshape(B, S, C)
    zq_st = jnp.transpose(zq_rows, (0, 2, 1)).reshape(B, C, T, H, Wd)
    mean = sse[0, 0] / (B * C * S)
    vq_loss = mean + 0.25 * mean
    return zq_st, vq_loss, indices

# --- scband reference (transcript-rebuilt; emitter-appended) ---
"""Pipeline reference for scband-vector-quantizer-69458211110925 (READ-ONLY COPY).

The authoritative reference and input builder live on the scoring server;
editing this copy changes nothing except your own understanding.
"""

import jax, jax.numpy as jnp
import numpy as np

NUM_EMBEDDINGS = 1024
EMBEDDING_DIM = 64
COMMITMENT_COST = 0.25


def setup_inputs(seed: int = 0) -> dict:
    key = jax.random.key(seed)
    k1, k2 = jax.random.split(key)
    z = jax.random.normal(k1, (4, 64, 8, 32, 32), dtype=jnp.float32)
    # nn.init.uniform_(weight, -1/K, 1/K)
    W = jax.random.uniform(k2, (NUM_EMBEDDINGS, EMBEDDING_DIM),
                           minval=-1.0 / NUM_EMBEDDINGS,
                           maxval=1.0 / NUM_EMBEDDINGS,
                           dtype=jnp.float32)
    return {"z": z, "W": W}


def reference(z, W):
    B, C, T, H, Wd = z.shape
    z_flat = jnp.transpose(z, (0, 2, 3, 4, 1)).reshape(-1, C)
    distances = (jnp.sum(z_flat ** 2, axis=1, keepdims=True)
                 - 2.0 * (z_flat @ W.T)
                 + jnp.sum(W ** 2, axis=1))
    indices = jnp.argmin(distances, axis=1)
    z_q = jnp.take(W, indices, axis=0)
    z_q = z_q.reshape(B, T, H, Wd, C).transpose(0, 4, 1, 2, 3)
    commitment_loss = jnp.mean((jax.lax.stop_gradient(z_q) - z) ** 2)
    embedding_loss = jnp.mean((z_q - jax.lax.stop_gradient(z)) ** 2)
    vq_loss = embedding_loss + COMMITMENT_COST * commitment_loss
    z_q_st = z + jax.lax.stop_gradient(z_q - z)
    return (z_q_st, vq_loss, indices.reshape(B, T, H, Wd))

if __name__ == "__main__":
    import jax
    _d = setup_inputs()
    print(jax.jit(kernel)(*tuple(_d.values())))

</pallas_src>

<mosaic_0001>
#map = affine_map<(d0, d1) -> (0, 0)>
#map1 = affine_map<(d0, d1) -> (0, 0, 0)>
#map2 = affine_map<(d0, d1) -> (0, 0, 0, 0)>
module attributes {stable_mosaic.version = 14 : i64} {
  func.func @_sc_gather_body(%arg0: i32, %arg1: i32, %arg2: memref<1024x64xf32, #tpu.memory_space<hbm>>, %arg3: memref<32x8x128xi32, #tpu.memory_space<hbm>>, %arg4: memref<32x8x128x64xf32, #tpu.memory_space<hbm>>, %arg5: memref<8x128xi32, #tpu.memory_space<vmem>>, %arg6: memref<8x128x64xf32, #tpu.memory_space<vmem>>, %arg7: memref<!tpu.dma_semaphore, #tpu.memory_space<semaphore_mem>>) attributes {dimension_semantics = [#tpu.dimension_semantics<core_parallel>, #tpu.dimension_semantics<subcore_parallel>], iteration_bounds = array<i64: 2, 16>, scalar_prefetch = 0 : i64, scratch_operands = 3 : i64, tpu.core_type = #tpu.core_type<sc_vector_subcore>, window_params = [{transform_indices = #map}, {transform_indices = #map1}, {transform_indices = #map2}]} {
    %mul3A = arith.constant 2 : i32
    %mul3A_0 = arith.muli %arg1, %mul3A : i32
    %add3A = arith.addi %mul3A_0, %arg0 : i32
    "tpu.region"() ({
      %run_scoped3A = tpu.sem_alloc : memref<!tpu.dma_semaphore, #tpu.memory_space<semaphore_mem>>
      %dma_start3A_191 = arith.constant 0 : i32
      %dma_start3A_192 = arith.constant 0 : i32
      %dma_start3A_193 = tpu.memref_slice %arg3[%add3A, %dma_start3A_191, %dma_start3A_192] : memref<32x8x128xi32, #tpu.memory_space<hbm>> -> memref<1x8x128xi32, #tpu.memory_space<hbm>>
      %dma_start3A_194 = tpu.memref_squeeze %dma_start3A_193 : memref<1x8x128xi32, #tpu.memory_space<hbm>> -> memref<8x128xi32, #tpu.memory_space<hbm>>
      %dma_start3A_195 = arith.constant 0 : i32
      %dma_start3A_196 = arith.constant 0 : i32
      %dma_start3A_197 = tpu.memref_slice %arg3[%add3A, %dma_start3A_195, %dma_start3A_196] : memref<32x8x128xi32, #tpu.memory_space<hbm>> -> memref<1x8x128xi32, #tpu.memory_space<hbm>>
      %dma_start3A_198 = tpu.memref_squeeze %dma_start3A_197 : memref<1x8x128xi32, #tpu.memory_space<hbm>> -> memref<8x128xi32, #tpu.memory_space<hbm>>
      tpu.enqueue_dma source(%dma_start3A_198 : memref<8x128xi32, #tpu.memory_space<hbm>>) target(%arg5 : memref<8x128xi32, #tpu.memory_space<vmem>>) target_semaphore(%run_scoped3A : memref<!tpu.dma_semaphore, #tpu.memory_space<semaphore_mem>>)
      %dma_wait3A_199 = arith.constant 0 : i32
      %dma_wait3A_200 = arith.constant 0 : i32
      %dma_wait3A_201 = tpu.memref_slice %arg3[%add3A, %dma_wait3A_199, %dma_wait3A_200] : memref<32x8x128xi32, #tpu.memory_space<hbm>> -> memref<1x8x128xi32, #tpu.memory_space<hbm>>
      %dma_wait3A_202 = tpu.memref_squeeze %dma_wait3A_201 : memref<1x8x128xi32, #tpu.memory_space<hbm>> -> memref<8x128xi32, #tpu.memory_space<hbm>>
      %dma_wait3A_203 = arith.constant 0 : i32
      %dma_wait3A_204 = arith.constant 0 : i32
      %dma_wait3A_205 = tpu.memref_slice %arg3[%add3A, %dma_wait3A_203, %dma_wait3A_204] : memref<32x8x128xi32, #tpu.memory_space<hbm>> -> memref<1x8x128xi32, #tpu.memory_space<hbm>>
      %dma_wait3A_206 = tpu.memref_squeeze %dma_wait3A_205 : memref<1x8x128xi32, #tpu.memory_space<hbm>> -> memref<8x128xi32, #tpu.memory_space<hbm>>
      tpu.wait_dma2 semaphore(%run_scoped3A : memref<!tpu.dma_semaphore, #tpu.memory_space<semaphore_mem>>) src(%dma_wait3A_206 : memref<8x128xi32, #tpu.memory_space<hbm>>) dst(%arg5 : memref<8x128xi32, #tpu.memory_space<vmem>>)
      tpu.yield
    }) : () -> ()
    %dma_start3A = arith.constant 0 : i32
    %dma_start3A_1 = arith.constant 0 : i32
    %dma_start3A_2 = arith.constant 0 : i32
    %dma_start3A_3 = arith.constant 0 : i32
    %dma_start3A_4 = tpu.memref_slice %arg6[%dma_start3A_1, %dma_start3A_2, %dma_start3A_3] : memref<8x128x64xf32, #tpu.memory_space<vmem>> -> memref<1x128x64xf32, #tpu.memory_space<vmem>>
    %dma_start3A_5 = tpu.memref_squeeze %dma_start3A_4 : memref<1x128x64xf32, #tpu.memory_space<vmem>> -> memref<128x64xf32, #tpu.memory_space<vmem>>
    %dma_start3A_6 = arith.constant 0 : i32
    %dma_start3A_7 = tpu.memref_slice %arg5[%dma_start3A, %dma_start3A_6] : memref<8x128xi32, #tpu.memory_space<vmem>> -> memref<1x128xi32, #tpu.memory_space<vmem>>
    %dma_start3A_8 = tpu.memref_squeeze %dma_start3A_7 : memref<1x128xi32, #tpu.memory_space<vmem>> -> memref<128xi32, #tpu.memory_space<vmem>>
    %dma_start3A_9 = arith.constant 0 : i32
    %dma_start3A_10 = arith.constant 0 : i32
    %dma_start3A_11 = tpu.memref_slice %arg2[%dma_start3A_9, %dma_start3A_10] : memref<1024x64xf32, #tpu.memory_space<hbm>> -> memref<1024x64xf32, #tpu.memory_space<hbm>>
    tpu.enqueue_indirect_dma source(%dma_start3A_11 : memref<1024x64xf32, #tpu.memory_space<hbm>>) target(%dma_start3A_5 : memref<128x64xf32, #tpu.memory_space<vmem>>) offsets(%dma_start3A_8 : memref<128xi32, #tpu.memory_space<vmem>>) semaphore(%arg7 : memref<!tpu.dma_semaphore, #tpu.memory_space<semaphore_mem>>)
    %dma_start3A_12 = arith.constant 1 : i32
    %dma_start3A_13 = arith.constant 1 : i32
    %dma_start3A_14 = arith.constant 0 : i32
    %dma_start3A_15 = arith.constant 0 : i32
    %dma_start3A_16 = tpu.memref_slice %arg6[%dma_start3A_13, %dma_start3A_14, %dma_start3A_15] : memref<8x128x64xf32, #tpu.memory_space<vmem>> -> memref<1x128x64xf32, #tpu.memory_space<vmem>>
    %dma_start3A_17 = tpu.memref_squeeze %dma_start3A_16 : memref<1x128x64xf32, #tpu.memory_space<vmem>> -> memref<128x64xf32, #tpu.memory_space<vmem>>
    %dma_start3A_18 = arith.constant 0 : i32
    %dma_start3A_19 = tpu.memref_slice %arg5[%dma_start3A_12, %dma_start3A_18] : memref<8x128xi32, #tpu.memory_space<vmem>> -> memref<1x128xi32, #tpu.memory_space<vmem>>
    %dma_start3A_20 = tpu.memref_squeeze %dma_start3A_19 : memref<1x128xi32, #tpu.memory_space<vmem>> -> memref<128xi32, #tpu.memory_space<vmem>>
    %dma_start3A_21 = arith.constant 0 : i32
    %dma_start3A_22 = arith.constant 0 : i32
    %dma_start3A_23 = tpu.memref_slice %arg2[%dma_start3A_21, %dma_start3A_22] : memref<1024x64xf32, #tpu.memory_space<hbm>> -> memref<1024x64xf32, #tpu.memory_space<hbm>>
    tpu.enqueue_indirect_dma source(%dma_start3A_23 : memref<1024x64xf32, #tpu.memory_space<hbm>>) target(%dma_start3A_17 : memref<128x64xf32, #tpu.memory_space<vmem>>) offsets(%dma_start3A_20 : memref<128xi32, #tpu.memory_space<vmem>>) semaphore(%arg7 : memref<!tpu.dma_semaphore, #tpu.memory_space<semaphore_mem>>)
    %dma_start3A_24 = arith.constant 2 : i32
    %dma_start3A_25 = arith.constant 2 : i32
    %dma_start3A_26 = arith.constant 0 : i32
    %dma_start3A_27 = arith.constant 0 : i32
    %dma_start3A_28 = tpu.memref_slice %arg6[%dma_start3A_25, %dma_start3A_26, %dma_start3A_27] : memref<8x128x64xf32, #tpu.memory_space<vmem>> -> memref<1x128x64xf32, #tpu.memory_space<vmem>>
    %dma_start3A_29 = tpu.memref_squeeze %dma_start3A_28 : memref<1x128x64xf32, #tpu.memory_space<vmem>> -> memref<128x64xf32, #tpu.memory_space<vmem>>
    %dma_start3A_30 = arith.constant 0 : i32
    %dma_start3A_31 = tpu.memref_slice %arg5[%dma_start3A_24, %dma_start3A_30] : memref<8x128xi32, #tpu.memory_space<vmem>> -> memref<1x128xi32, #tpu.memory_space<vmem>>
    %dma_start3A_32 = tpu.memref_squeeze %dma_start3A_31 : memref<1x128xi32, #tpu.memory_space<vmem>> -> memref<128xi32, #tpu.memory_space<vmem>>
    %dma_start3A_33 = arith.constant 0 : i32
    %dma_start3A_34 = arith.constant 0 : i32
    %dma_start3A_35 = tpu.memref_slice %arg2[%dma_start3A_33, %dma_start3A_34] : memref<1024x64xf32, #tpu.memory_space<hbm>> -> memref<1024x64xf32, #tpu.memory_space<hbm>>
    tpu.enqueue_indirect_dma source(%dma_start3A_35 : memref<1024x64xf32, #tpu.memory_space<hbm>>) target(%dma_start3A_29 : memref<128x64xf32, #tpu.memory_space<vmem>>) offsets(%dma_start3A_32 : memref<128xi32, #tpu.memory_space<vmem>>) semaphore(%arg7 : memref<!tpu.dma_semaphore, #tpu.memory_space<semaphore_mem>>)
    %dma_start3A_36 = arith.constant 3 : i32
    %dma_start3A_37 = arith.constant 3 : i32
    %dma_start3A_38 = arith.constant 0 : i32
    %dma_start3A_39 = arith.constant 0 : i32
    %dma_start3A_40 = tpu.memref_slice %arg6[%dma_start3A_37, %dma_start3A_38, %dma_start3A_39] : memref<8x128x64xf32, #tpu.memory_space<vmem>> -> memref<1x128x64xf32, #tpu.memory_space<vmem>>
    %dma_start3A_41 = tpu.memref_squeeze %dma_start3A_40 : memref<1x128x64xf32, #tpu.memory_space<vmem>> -> memref<128x64xf32, #tpu.memory_space<vmem>>
    %dma_start3A_42 = arith.constant 0 : i32
    %dma_start3A_43 = tpu.memref_slice %arg5[%dma_start3A_36, %dma_start3A_42] : memref<8x128xi32, #tpu.memory_space<vmem>> -> memref<1x128xi32, #tpu.memory_space<vmem>>
    %dma_start3A_44 = tpu.memref_squeeze %dma_start3A_43 : memref<1x128xi32, #tpu.memory_space<vmem>> -> memref<128xi32, #tpu.memory_space<vmem>>
    %dma_start3A_45 = arith.constant 0 : i32
    %dma_start3A_46 = arith.constant 0 : i32
    %dma_start3A_47 = tpu.memref_slice %arg2[%dma_start3A_45, %dma_start3A_46] : memref<1024x64xf32, #tpu.memory_space<hbm>> -> memref<1024x64xf32, #tpu.memory_space<hbm>>
    tpu.enqueue_indirect_dma source(%dma_start3A_47 : memref<1024x64xf32, #tpu.memory_space<hbm>>) target(%dma_start3A_41 : memref<128x64xf32, #tpu.memory_space<vmem>>) offsets(%dma_start3A_44 : memref<128xi32, #tpu.memory_space<vmem>>) semaphore(%arg7 : memref<!tpu.dma_semaphore, #tpu.memory_space<semaphore_mem>>)
    %dma_start3A_48 = arith.constant 4 : i32
    %dma_start3A_49 = arith.constant 4 : i32
    %dma_start3A_50 = arith.constant 0 : i32
    %dma_start3A_51 = arith.constant 0 : i32
    %dma_start3A_52 = tpu.memref_slice %arg6[%dma_start3A_49, %dma_start3A_50, %dma_start3A_51] : memref<8x128x64xf32, #tpu.memory_space<vmem>> -> memref<1x128x64xf32, #tpu.memory_space<vmem>>
    %dma_start3A_53 = tpu.memref_squeeze %dma_start3A_52 : memref<1x128x64xf32, #tpu.memory_space<vmem>> -> memref<128x64xf32, #tpu.memory_space<vmem>>
    %dma_start3A_54 = arith.constant 0 : i32
    %dma_start3A_55 = tpu.memref_slice %arg5[%dma_start3A_48, %dma_start3A_54] : memref<8x128xi32, #tpu.memory_space<vmem>> -> memref<1x128xi32, #tpu.memory_space<vmem>>
    %dma_start3A_56 = tpu.memref_squeeze %dma_start3A_55 : memref<1x128xi32, #tpu.memory_space<vmem>> -> memref<128xi32, #tpu.memory_space<vmem>>
    %dma_start3A_57 = arith.constant 0 : i32
    %dma_start3A_58 = arith.constant 0 : i32
    %dma_start3A_59 = tpu.memref_slice %arg2[%dma_start3A_57, %dma_start3A_58] : memref<1024x64xf32, #tpu.memory_space<hbm>> -> memref<1024x64xf32, #tpu.memory_space<hbm>>
    tpu.enqueue_indirect_dma source(%dma_start3A_59 : memref<1024x64xf32, #tpu.memory_space<hbm>>) target(%dma_start3A_53 : memref<128x64xf32, #tpu.memory_space<vmem>>) offsets(%dma_start3A_56 : memref<128xi32, #tpu.memory_space<vmem>>) semaphore(%arg7 : memref<!tpu.dma_semaphore, #tpu.memory_space<semaphore_mem>>)
    %dma_start3A_60 = arith.constant 5 : i32
    %dma_start3A_61 = arith.constant 5 : i32
    %dma_start3A_62 = arith.constant 0 : i32
    %dma_start3A_63 = arith.constant 0 : i32
    %dma_start3A_64 = tpu.memref_slice %arg6[%dma_start3A_61, %dma_start3A_62, %dma_start3A_63] : memref<8x128x64xf32, #tpu.memory_space<vmem>> -> memref<1x128x64xf32, #tpu.memory_space<vmem>>
    %dma_start3A_65 = tpu.memref_squeeze %dma_start3A_64 : memref<1x128x64xf32, #tpu.memory_space<vmem>> -> memref<128x64xf32, #tpu.memory_space<vmem>>
    %dma_start3A_66 = arith.constant 0 : i32
    %dma_start3A_67 = tpu.memref_slice %arg5[%dma_start3A_60, %dma_start3A_66] : memref<8x128xi32, #tpu.memory_space<vmem>> -> memref<1x128xi32, #tpu.memory_space<vmem>>
    %dma_start3A_68 = tpu.memref_squeeze %dma_start3A_67 : memref<1x128xi32, #tpu.memory_space<vmem>> -> memref<128xi32, #tpu.memory_space<vmem>>
    %dma_start3A_69 = arith.constant 0 : i32
    %dma_start3A_70 = arith.constant 0 : i32
    %dma_start3A_71 = tpu.memref_slice %arg2[%dma_start3A_69, %dma_start3A_70] : memref<1024x64xf32, #tpu.memory_space<hbm>> -> memref<1024x64xf32, #tpu.memory_space<hbm>>
    tpu.enqueue_indirect_dma source(%dma_start3A_71 : memref<1024x64xf32, #tpu.memory_space<hbm>>) target(%dma_start3A_65 : memref<128x64xf32, #tpu.memory_space<vmem>>) offsets(%dma_start3A_68 : memref<128xi32, #tpu.memory_space<vmem>>) semaphore(%arg7 : memref<!tpu.dma_semaphore, #tpu.memory_space<semaphore_mem>>)
    %dma_start3A_72 = arith.constant 6 : i32
    %dma_start3A_73 = arith.constant 6 : i32
    %dma_start3A_74 = arith.constant 0 : i32
    %dma_start3A_75 = arith.constant 0 : i32
    %dma_start3A_76 = tpu.memref_slice %arg6[%dma_start3A_73, %dma_start3A_74, %dma_start3A_75] : memref<8x128x64xf32, #tpu.memory_space<vmem>> -> memref<1x128x64xf32, #tpu.memory_space<vmem>>
    %dma_start3A_77 = tpu.memref_squeeze %dma_start3A_76 : memref<1x128x64xf32, #tpu.memory_space<vmem>> -> memref<128x64xf32, #tpu.memory_space<vmem>>
    %dma_start3A_78 = arith.constant 0 : i32
    %dma_start3A_79 = tpu.memref_slice %arg5[%dma_start3A_72, %dma_start3A_78] : memref<8x128xi32, #tpu.memory_space<vmem>> -> memref<1x128xi32, #tpu.memory_space<vmem>>
    %dma_start3A_80 = tpu.memref_squeeze %dma_start3A_79 : memref<1x128xi32, #tpu.memory_space<vmem>> -> memref<128xi32, #tpu.memory_space<vmem>>
    %dma_start3A_81 = arith.constant 0 : i32
    %dma_start3A_82 = arith.constant 0 : i32
    %dma_start3A_83 = tpu.memref_slice %arg2[%dma_start3A_81, %dma_start3A_82] : memref<1024x64xf32, #tpu.memory_space<hbm>> -> memref<1024x64xf32, #tpu.memory_space<hbm>>
    tpu.enqueue_indirect_dma source(%dma_start3A_83 : memref<1024x64xf32, #tpu.memory_space<hbm>>) target(%dma_start3A_77 : memref<128x64xf32, #tpu.memory_space<vmem>>) offsets(%dma_start3A_80 : memref<128xi32, #tpu.memory_space<vmem>>) semaphore(%arg7 : memref<!tpu.dma_semaphore, #tpu.memory_space<semaphore_mem>>)
    %dma_start3A_84 = arith.constant 7 : i32
    %dma_start3A_85 = arith.constant 7 : i32
    %dma_start3A_86 = arith.constant 0 : i32
    %dma_start3A_87 = arith.constant 0 : i32
    %dma_start3A_88 = tpu.memref_slice %arg6[%dma_start3A_85, %dma_start3A_86, %dma_start3A_87] : memref<8x128x64xf32, #tpu.memory_space<vmem>> -> memref<1x128x64xf32, #tpu.memory_space<vmem>>
    %dma_start3A_89 = tpu.memref_squeeze %dma_start3A_88 : memref<1x128x64xf32, #tpu.memory_space<vmem>> -> memref<128x64xf32, #tpu.memory_space<vmem>>
    %dma_start3A_90 = arith.constant 0 : i32
    %dma_start3A_91 = tpu.memref_slice %arg5[%dma_start3A_84, %dma_start3A_90] : memref<8x128xi32, #tpu.memory_space<vmem>> -> memref<1x128xi32, #tpu.memory_space<vmem>>
    %dma_start3A_92 = tpu.memref_squeeze %dma_start3A_91 : memref<1x128xi32, #tpu.memory_space<vmem>> -> memref<128xi32, #tpu.memory_space<vmem>>
    %dma_start3A_93 = arith.constant 0 : i32
    %dma_start3A_94 = arith.constant 0 : i32
    %dma_start3A_95 = tpu.memref_slice %arg2[%dma_start3A_93, %dma_start3A_94] : memref<1024x64xf32, #tpu.memory_space<hbm>> -> memref<1024x64xf32, #tpu.memory_space<hbm>>
    tpu.enqueue_indirect_dma source(%dma_start3A_95 : memref<1024x64xf32, #tpu.memory_space<hbm>>) target(%dma_start3A_89 : memref<128x64xf32, #tpu.memory_space<vmem>>) offsets(%dma_start3A_92 : memref<128xi32, #tpu.memory_space<vmem>>) semaphore(%arg7 : memref<!tpu.dma_semaphore, #tpu.memory_space<semaphore_mem>>)
    %dma_wait3A = arith.constant 0 : i32
    %dma_wait3A_96 = arith.constant 0 : i32
    %dma_wait3A_97 = arith.constant 0 : i32
    %dma_wait3A_98 = arith.constant 0 : i32
    %dma_wait3A_99 = tpu.memref_slice %arg6[%dma_wait3A_96, %dma_wait3A_97, %dma_wait3A_98] : memref<8x128x64xf32, #tpu.memory_space<vmem>> -> memref<1x128x64xf32, #tpu.memory_space<vmem>>
    %dma_wait3A_100 = tpu.memref_squeeze %dma_wait3A_99 : memref<1x128x64xf32, #tpu.memory_space<vmem>> -> memref<128x64xf32, #tpu.memory_space<vmem>>
    %dma_wait3A_101 = arith.constant 0 : i32
    %dma_wait3A_102 = tpu.memref_slice %arg5[%dma_wait3A, %dma_wait3A_101] : memref<8x128xi32, #tpu.memory_space<vmem>> -> memref<1x128xi32, #tpu.memory_space<vmem>>
    %dma_wait3A_103 = tpu.memref_squeeze %dma_wait3A_102 : memref<1x128xi32, #tpu.memory_space<vmem>> -> memref<128xi32, #tpu.memory_space<vmem>>
    %dma_wait3A_104 = arith.constant 0 : i32
    %dma_wait3A_105 = arith.constant 0 : i32
    %dma_wait3A_106 = tpu.memref_slice %arg2[%dma_wait3A_104, %dma_wait3A_105] : memref<1024x64xf32, #tpu.memory_space<hbm>> -> memref<1024x64xf32, #tpu.memory_space<hbm>>
    tpu.wait_indirect_dma semaphore(%arg7 : memref<!tpu.dma_semaphore, #tpu.memory_space<semaphore_mem>>) src(%dma_wait3A_106 : memref<1024x64xf32, #tpu.memory_space<hbm>>) dst(%dma_wait3A_100 : memref<128x64xf32, #tpu.memory_space<vmem>>)
    %dma_wait3A_107 = arith.constant 1 : i32
    %dma_wait3A_108 = arith.constant 1 : i32
    %dma_wait3A_109 = arith.constant 0 : i32
    %dma_wait3A_110 = arith.constant 0 : i32
    %dma_wait3A_111 = tpu.memref_slice %arg6[%dma_wait3A_108, %dma_wait3A_109, %dma_wait3A_110] : memref<8x128x64xf32, #tpu.memory_space<vmem>> -> memref<1x128x64xf32, #tpu.memory_space<vmem>>
    %dma_wait3A_112 = tpu.memref_squeeze %dma_wait3A_111 : memref<1x128x64xf32, #tpu.memory_space<vmem>> -> memref<128x64xf32, #tpu.memory_space<vmem>>
    %dma_wait3A_113 = arith.constant 0 : i32
    %dma_wait3A_114 = tpu.memref_slice %arg5[%dma_wait3A_107, %dma_wait3A_113] : memref<8x128xi32, #tpu.memory_space<vmem>> -> memref<1x128xi32, #tpu.memory_space<vmem>>
    %dma_wait3A_115 = tpu.memref_squeeze %dma_wait3A_114 : memref<1x128xi32, #tpu.memory_space<vmem>> -> memref<128xi32, #tpu.memory_space<vmem>>
    %dma_wait3A_116 = arith.constant 0 : i32
    %dma_wait3A_117 = arith.constant 0 : i32
    %dma_wait3A_118 = tpu.memref_slice %arg2[%dma_wait3A_116, %dma_wait3A_117] : memref<1024x64xf32, #tpu.memory_space<hbm>> -> memref<1024x64xf32, #tpu.memory_space<hbm>>
    tpu.wait_indirect_dma semaphore(%arg7 : memref<!tpu.dma_semaphore, #tpu.memory_space<semaphore_mem>>) src(%dma_wait3A_118 : memref<1024x64xf32, #tpu.memory_space<hbm>>) dst(%dma_wait3A_112 : memref<128x64xf32, #tpu.memory_space<vmem>>)
    %dma_wait3A_119 = arith.constant 2 : i32
    %dma_wait3A_120 = arith.constant 2 : i32
    %dma_wait3A_121 = arith.constant 0 : i32
    %dma_wait3A_122 = arith.constant 0 : i32
    %dma_wait3A_123 = tpu.memref_slice %arg6[%dma_wait3A_120, %dma_wait3A_121, %dma_wait3A_122] : memref<8x128x64xf32, #tpu.memory_space<vmem>> -> memref<1x128x64xf32, #tpu.memory_space<vmem>>
    %dma_wait3A_124 = tpu.memref_squeeze %dma_wait3A_123 : memref<1x128x64xf32, #tpu.memory_space<vmem>> -> memref<128x64xf32, #tpu.memory_space<vmem>>
    %dma_wait3A_125 = arith.constant 0 : i32
    %dma_wait3A_126 = tpu.memref_slice %arg5[%dma_wait3A_119, %dma_wait3A_125] : memref<8x128xi32, #tpu.memory_space<vmem>> -> memref<1x128xi32, #tpu.memory_space<vmem>>
    %dma_wait3A_127 = tpu.memref_squeeze %dma_wait3A_126 : memref<1x128xi32, #tpu.memory_space<vmem>> -> memref<128xi32, #tpu.memory_space<vmem>>
    %dma_wait3A_128 = arith.constant 0 : i32
    %dma_wait3A_129 = arith.constant 0 : i32
    %dma_wait3A_130 = tpu.memref_slice %arg2[%dma_wait3A_128, %dma_wait3A_129] : memref<1024x64xf32, #tpu.memory_space<hbm>> -> memref<1024x64xf32, #tpu.memory_space<hbm>>
    tpu.wait_indirect_dma semaphore(%arg7 : memref<!tpu.dma_semaphore, #tpu.memory_space<semaphore_mem>>) src(%dma_wait3A_130 : memref<1024x64xf32, #tpu.memory_space<hbm>>) dst(%dma_wait3A_124 : memref<128x64xf32, #tpu.memory_space<vmem>>)
    %dma_wait3A_131 = arith.constant 3 : i32
    %dma_wait3A_132 = arith.constant 3 : i32
    %dma_wait3A_133 = arith.constant 0 : i32
    %dma_wait3A_134 = arith.constant 0 : i32
    %dma_wait3A_135 = tpu.memref_slice %arg6[%dma_wait3A_132, %dma_wait3A_133, %dma_wait3A_134] : memref<8x128x64xf32, #tpu.memory_space<vmem>> -> memref<1x128x64xf32, #tpu.memory_space<vmem>>
    %dma_wait3A_136 = tpu.memref_squeeze %dma_wait3A_135 : memref<1x128x64xf32, #tpu.memory_space<vmem>> -> memref<128x64xf32, #tpu.memory_space<vmem>>
    %dma_wait3A_137 = arith.constant 0 : i32
    %dma_wait3A_138 = tpu.memref_slice %arg5[%dma_wait3A_131, %dma_wait3A_137] : memref<8x128xi32, #tpu.memory_space<vmem>> -> memref<1x128xi32, #tpu.memory_space<vmem>>
    %dma_wait3A_139 = tpu.memref_squeeze %dma_wait3A_138 : memref<1x128xi32, #tpu.memory_space<vmem>> -> memref<128xi32, #tpu.memory_space<vmem>>
    %dma_wait3A_140 = arith.constant 0 : i32
    %dma_wait3A_141 = arith.constant 0 : i32
    %dma_wait3A_142 = tpu.memref_slice %arg2[%dma_wait3A_140, %dma_wait3A_141] : memref<1024x64xf32, #tpu.memory_space<hbm>> -> memref<1024x64xf32, #tpu.memory_space<hbm>>
    tpu.wait_indirect_dma semaphore(%arg7 : memref<!tpu.dma_semaphore, #tpu.memory_space<semaphore_mem>>) src(%dma_wait3A_142 : memref<1024x64xf32, #tpu.memory_space<hbm>>) dst(%dma_wait3A_136 : memref<128x64xf32, #tpu.memory_space<vmem>>)
    %dma_wait3A_143 = arith.constant 4 : i32
    %dma_wait3A_144 = arith.constant 4 : i32
    %dma_wait3A_145 = arith.constant 0 : i32
    %dma_wait3A_146 = arith.constant 0 : i32
    %dma_wait3A_147 = tpu.memref_slice %arg6[%dma_wait3A_144, %dma_wait3A_145, %dma_wait3A_146] : memref<8x128x64xf32, #tpu.memory_space<vmem>> -> memref<1x128x64xf32, #tpu.memory_space<vmem>>
    %dma_wait3A_148 = tpu.memref_squeeze %dma_wait3A_147 : memref<1x128x64xf32, #tpu.memory_space<vmem>> -> memref<128x64xf32, #tpu.memory_space<vmem>>
    %dma_wait3A_149 = arith.constant 0 : i32
    %dma_wait3A_150 = tpu.memref_slice %arg5[%dma_wait3A_143, %dma_wait3A_149] : memref<8x128xi32, #tpu.memory_space<vmem>> -> memref<1x128xi32, #tpu.memory_space<vmem>>
    %dma_wait3A_151 = tpu.memref_squeeze %dma_wait3A_150 : memref<1x128xi32, #tpu.memory_space<vmem>> -> memref<128xi32, #tpu.memory_space<vmem>>
    %dma_wait3A_152 = arith.constant 0 : i32
    %dma_wait3A_153 = arith.constant 0 : i32
    %dma_wait3A_154 = tpu.memref_slice %arg2[%dma_wait3A_152, %dma_wait3A_153] : memref<1024x64xf32, #tpu.memory_space<hbm>> -> memref<1024x64xf32, #tpu.memory_space<hbm>>
    tpu.wait_indirect_dma semaphore(%arg7 : memref<!tpu.dma_semaphore, #tpu.memory_space<semaphore_mem>>) src(%dma_wait3A_154 : memref<1024x64xf32, #tpu.memory_space<hbm>>) dst(%dma_wait3A_148 : memref<128x64xf32, #tpu.memory_space<vmem>>)
    %dma_wait3A_155 = arith.constant 5 : i32
    %dma_wait3A_156 = arith.constant 5 : i32
    %dma_wait3A_157 = arith.constant 0 : i32
    %dma_wait3A_158 = arith.constant 0 : i32
    %dma_wait3A_159 = tpu.memref_slice %arg6[%dma_wait3A_156, %dma_wait3A_157, %dma_wait3A_158] : memref<8x128x64xf32, #tpu.memory_space<vmem>> -> memref<1x128x64xf32, #tpu.memory_space<vmem>>
    %dma_wait3A_160 = tpu.memref_squeeze %dma_wait3A_159 : memref<1x128x64xf32, #tpu.memory_space<vmem>> -> memref<128x64xf32, #tpu.memory_space<vmem>>
    %dma_wait3A_161 = arith.constant 0 : i32
    %dma_wait3A_162 = tpu.memref_slice %arg5[%dma_wait3A_155, %dma_wait3A_161] : memref<8x128xi32, #tpu.memory_space<vmem>> -> memref<1x128xi32, #tpu.memory_space<vmem>>
    %dma_wait3A_163 = tpu.memref_squeeze %dma_wait3A_162 : memref<1x128xi32, #tpu.memory_space<vmem>> -> memref<128xi32, #tpu.memory_space<vmem>>
    %dma_wait3A_164 = arith.constant 0 : i32
    %dma_wait3A_165 = arith.constant 0 : i32
    %dma_wait3A_166 = tpu.memref_slice %arg2[%dma_wait3A_164, %dma_wait3A_165] : memref<1024x64xf32, #tpu.memory_space<hbm>> -> memref<1024x64xf32, #tpu.memory_space<hbm>>
    tpu.wait_indirect_dma semaphore(%arg7 : memref<!tpu.dma_semaphore, #tpu.memory_space<semaphore_mem>>) src(%dma_wait3A_166 : memref<1024x64xf32, #tpu.memory_space<hbm>>) dst(%dma_wait3A_160 : memref<128x64xf32, #tpu.memory_space<vmem>>)
    %dma_wait3A_167 = arith.constant 6 : i32
    %dma_wait3A_168 = arith.constant 6 : i32
    %dma_wait3A_169 = arith.constant 0 : i32
    %dma_wait3A_170 = arith.constant 0 : i32
    %dma_wait3A_171 = tpu.memref_slice %arg6[%dma_wait3A_168, %dma_wait3A_169, %dma_wait3A_170] : memref<8x128x64xf32, #tpu.memory_space<vmem>> -> memref<1x128x64xf32, #tpu.memory_space<vmem>>
    %dma_wait3A_172 = tpu.memref_squeeze %dma_wait3A_171 : memref<1x128x64xf32, #tpu.memory_space<vmem>> -> memref<128x64xf32, #tpu.memory_space<vmem>>
    %dma_wait3A_173 = arith.constant 0 : i32
    %dma_wait3A_174 = tpu.memref_slice %arg5[%dma_wait3A_167, %dma_wait3A_173] : memref<8x128xi32, #tpu.memory_space<vmem>> -> memref<1x128xi32, #tpu.memory_space<vmem>>
    %dma_wait3A_175 = tpu.memref_squeeze %dma_wait3A_174 : memref<1x128xi32, #tpu.memory_space<vmem>> -> memref<128xi32, #tpu.memory_space<vmem>>
    %dma_wait3A_176 = arith.constant 0 : i32
    %dma_wait3A_177 = arith.constant 0 : i32
    %dma_wait3A_178 = tpu.memref_slice %arg2[%dma_wait3A_176, %dma_wait3A_177] : memref<1024x64xf32, #tpu.memory_space<hbm>> -> memref<1024x64xf32, #tpu.memory_space<hbm>>
    tpu.wait_indirect_dma semaphore(%arg7 : memref<!tpu.dma_semaphore, #tpu.memory_space<semaphore_mem>>) src(%dma_wait3A_178 : memref<1024x64xf32, #tpu.memory_space<hbm>>) dst(%dma_wait3A_172 : memref<128x64xf32, #tpu.memory_space<vmem>>)
    %dma_wait3A_179 = arith.constant 7 : i32
    %dma_wait3A_180 = arith.constant 7 : i32
    %dma_wait3A_181 = arith.constant 0 : i32
    %dma_wait3A_182 = arith.constant 0 : i32
    %dma_wait3A_183 = tpu.memref_slice %arg6[%dma_wait3A_180, %dma_wait3A_181, %dma_wait3A_182] : memref<8x128x64xf32, #tpu.memory_space<vmem>> -> memref<1x128x64xf32, #tpu.memory_space<vmem>>
    %dma_wait3A_184 = tpu.memref_squeeze %dma_wait3A_183 : memref<1x128x64xf32, #tpu.memory_space<vmem>> -> memref<128x64xf32, #tpu.memory_space<vmem>>
    %dma_wait3A_185 = arith.constant 0 : i32
    %dma_wait3A_186 = tpu.memref_slice %arg5[%dma_wait3A_179, %dma_wait3A_185] : memref<8x128xi32, #tpu.memory_space<vmem>> -> memref<1x128xi32, #tpu.memory_space<vmem>>
    %dma_wait3A_187 = tpu.memref_squeeze %dma_wait3A_186 : memref<1x128xi32, #tpu.memory_space<vmem>> -> memref<128xi32, #tpu.memory_space<vmem>>
    %dma_wait3A_188 = arith.constant 0 : i32
    %dma_wait3A_189 = arith.constant 0 : i32
    %dma_wait3A_190 = tpu.memref_slice %arg2[%dma_wait3A_188, %dma_wait3A_189] : memref<1024x64xf32, #tpu.memory_space<hbm>> -> memref<1024x64xf32, #tpu.memory_space<hbm>>
    tpu.wait_indirect_dma semaphore(%arg7 : memref<!tpu.dma_semaphore, #tpu.memory_space<semaphore_mem>>) src(%dma_wait3A_190 : memref<1024x64xf32, #tpu.memory_space<hbm>>) dst(%dma_wait3A_184 : memref<128x64xf32, #tpu.memory_space<vmem>>)
    "tpu.region"() ({
      %run_scoped3A = tpu.sem_alloc : memref<!tpu.dma_semaphore, #tpu.memory_space<semaphore_mem>>
      %dma_start3A_191 = arith.constant 0 : i32
      %dma_start3A_192 = arith.constant 0 : i32
      %dma_start3A_193 = arith.constant 0 : i32
      %dma_start3A_194 = tpu.memref_slice %arg4[%add3A, %dma_start3A_191, %dma_start3A_192, %dma_start3A_193] : memref<32x8x128x64xf32, #tpu.memory_space<hbm>> -> memref<1x8x128x64xf32, #tpu.memory_space<hbm>>
      %dma_start3A_195 = tpu.memref_squeeze %dma_start3A_194 : memref<1x8x128x64xf32, #tpu.memory_space<hbm>> -> memref<8x128x64xf32, #tpu.memory_space<hbm>>
      %dma_start3A_196 = arith.constant 0 : i32
      %dma_start3A_197 = arith.constant 0 : i32
      %dma_start3A_198 = arith.constant 0 : i32
      %dma_start3A_199 = tpu.memref_slice %arg4[%add3A, %dma_start3A_196, %dma_start3A_197, %dma_start3A_198] : memref<32x8x128x64xf32, #tpu.memory_space<hbm>> -> memref<1x8x128x64xf32, #tpu.memory_space<hbm>>
      %dma_start3A_200 = tpu.memref_squeeze %dma_start3A_199 : memref<1x8x128x64xf32, #tpu.memory_space<hbm>> -> memref<8x128x64xf32, #tpu.memory_space<hbm>>
      tpu.enqueue_dma source(%arg6 : memref<8x128x64xf32, #tpu.memory_space<vmem>>) target(%dma_start3A_200 : memref<8x128x64xf32, #tpu.memory_space<hbm>>) target_semaphore(%run_scoped3A : memref<!tpu.dma_semaphore, #tpu.memory_space<semaphore_mem>>)
      %dma_wait3A_201 = arith.constant 0 : i32
      %dma_wait3A_202 = arith.constant 0 : i32
      %dma_wait3A_203 = arith.constant 0 : i32
      %dma_wait3A_204 = tpu.memref_slice %arg4[%add3A, %dma_wait3A_201, %dma_wait3A_202, %dma_wait3A_203] : memref<32x8x128x64xf32, #tpu.memory_space<hbm>> -> memref<1x8x128x64xf32, #tpu.memory_space<hbm>>
      %dma_wait3A_205 = tpu.memref_squeeze %dma_wait3A_204 : memref<1x8x128x64xf32, #tpu.memory_space<hbm>> -> memref<8x128x64xf32, #tpu.memory_space<hbm>>
      %dma_wait3A_206 = arith.constant 0 : i32
      %dma_wait3A_207 = arith.constant 0 : i32
      %dma_wait3A_208 = arith.constant 0 : i32
      %dma_wait3A_209 = tpu.memref_slice %arg4[%add3A, %dma_wait3A_206, %dma_wait3A_207, %dma_wait3A_208] : memref<32x8x128x64xf32, #tpu.memory_space<hbm>> -> memref<1x8x128x64xf32, #tpu.memory_space<hbm>>
      %dma_wait3A_210 = tpu.memref_squeeze %dma_wait3A_209 : memref<1x8x128x64xf32, #tpu.memory_space<hbm>> -> memref<8x128x64xf32, #tpu.memory_space<hbm>>
      tpu.wait_dma2 semaphore(%run_scoped3A : memref<!tpu.dma_semaphore, #tpu.memory_space<semaphore_mem>>) src(%arg6 : memref<8x128x64xf32, #tpu.memory_space<vmem>>) dst(%dma_wait3A_210 : memref<8x128x64xf32, #tpu.memory_space<hbm>>)
      tpu.yield
    }) : () -> ()
    return
  }
}

module attributes {stable_mosaic.version = 14 : i64} {
  func.func @_vq_body(%arg0: i32, %arg1: i32, %arg2: memref<1x64x4096xf32, #tpu.memory_space<vmem>>, %arg3: memref<1024x64xf32, #tpu.memory_space<vmem>>, %arg4: memref<1x1x1x4096xi32, #tpu.memory_space<vmem>>, %arg5: memref<1x1xf32, #tpu.memory_space<smem>>) attributes {dimension_semantics = [#tpu.dimension_semantics<arbitrary>, #tpu.dimension_semantics<arbitrary>], iteration_bounds = array<i64: 4, 2>, scalar_prefetch = 0 : i64, scratch_operands = 0 : i64, tpu.core_type = #tpu.core_type<tc>, window_params = [{transform_indices = @transform_0, window_bounds = array<i64: 1, 64, 4096>}, {pipeline_mode = #tpu.pipeline_mode<synchronous>, transform_indices = @transform_1, window_bounds = array<i64: 1024, 64>}, {transform_indices = @transform_2, window_bounds = array<i64: 1, 1, 1, 4096>}, {transform_indices = @transform_3, window_bounds = array<i64: 1, 1>}]} {
    %get3A = arith.constant 0 : index
    %get3A_0 = arith.constant 0 : index
    %get3A_1 = arith.constant 0 : index
    %get3A_2 = vector.load %arg2[%get3A, %get3A_0, %get3A_1] : memref<1x64x4096xf32, #tpu.memory_space<vmem>>, vector<1x64x4096xf32>
    %get3A_3 = vector.shape_cast %get3A_2 : vector<1x64x4096xf32> to vector<64x4096xf32>
    %get3A_4 = arith.constant 0 : index
    %get3A_5 = arith.constant 0 : index
    %get3A_6 = vector.load %arg3[%get3A_4, %get3A_5] : memref<1024x64xf32, #tpu.memory_space<vmem>>, vector<1024x64xf32>
    %mul3A = arith.constant -2.000000e+00 : f32
    %mul3A_7 = vector.broadcast %mul3A : f32 to vector<1024x64xf32>
    %mul3A_8 = arith.mulf %get3A_6, %mul3A_7 : vector<1024x64xf32>
    %mul3A_9 = arith.mulf %get3A_6, %get3A_6 : vector<1024x64xf32>
    %reduce_sum3A = arith.constant dense<0.000000e+00> : vector<1024xf32>
    %reduce_sum3A_10 = vector.multi_reduction <add>, %mul3A_9, %reduce_sum3A [1] : vector<1024x64xf32> to vector<1024xf32>
    %broadcast_in_dim3A = vector.shape_cast %reduce_sum3A_10 : vector<1024xf32> to vector<1024x1xf32>
    %dot_general3A = arith.constant dense<0.000000e+00> : vector<1024x4096xf32>
    %dot_general3A_11 = tpu.matmul %mul3A_8, %get3A_3, %dot_general3A {dimension_numbers = #tpu.dot_dimension_numbers<[1], [0], [0], [1], [0, 0, 1, 1], [], []>, transpose_lhs_hint = false} : vector<1024x64xf32>, vector<64x4096xf32>, vector<1024x4096xf32> -> vector<1024x4096xf32>
    %mul3A_12 = arith.mulf %get3A_3, %get3A_3 : vector<64x4096xf32>
    %reduce_sum3A_13 = arith.constant dense<0.000000e+00> : vector<4096xf32>
    %reduce_sum3A_14 = vector.multi_reduction <add>, %mul3A_12, %reduce_sum3A_13 [0] : vector<64x4096xf32> to vector<4096xf32>
    %broadcast_in_dim3A_15 = vector.shape_cast %reduce_sum3A_14 : vector<4096xf32> to vector<1x4096xf32>
    %add3A = vector.broadcast %broadcast_in_dim3A_15 : vector<1x4096xf32> to vector<1024x4096xf32>
    %add3A_16 = arith.addf %add3A, %dot_general3A_11 : vector<1024x4096xf32>
    %add3A_17 = vector.broadcast %broadcast_in_dim3A : vector<1024x1xf32> to vector<1024x4096xf32>
    %add3A_18 = arith.addf %add3A_16, %add3A_17 : vector<1024x4096xf32>
    %argmin3A = tpu.reduce_index %add3A_18 {axis = 0 : i32, kind = #tpu.reduction_kind<arg_min>} : vector<1024x4096xf32> -> vector<4096xi32>
    %reduce_min3A = arith.constant dense<0x7F800000> : vector<4096xf32>
    %reduce_min3A_19 = vector.multi_reduction <minimumf>, %add3A_18, %reduce_min3A [0] : vector<1024x4096xf32> to vector<4096xf32>
    %and3A = arith.constant 7 : i32
    %and3A_20 = vector.broadcast %and3A : i32 to vector<4096xi32>
    %and3A_21 = arith.andi %argmin3A, %and3A_20 : vector<4096xi32>
    %eq3A = arith.constant 0 : i32
    %eq3A_22 = vector.broadcast %eq3A : i32 to vector<4096xi32>
    %eq3A_23 = arith.cmpi eq, %and3A_21, %eq3A_22 : vector<4096xi32>
    %eq3A_24 = arith.constant 1 : i32
    %eq3A_25 = vector.broadcast %eq3A_24 : i32 to vector<4096xi32>
    %eq3A_26 = arith.cmpi eq, %and3A_21, %eq3A_25 : vector<4096xi32>
    %eq3A_27 = arith.constant 2 : i32
    %eq3A_28 = vector.broadcast %eq3A_27 : i32 to vector<4096xi32>
    %eq3A_29 = arith.cmpi eq, %and3A_21, %eq3A_28 : vector<4096xi32>
    %eq3A_30 = arith.constant 3 : i32
    %eq3A_31 = vector.broadcast %eq3A_30 : i32 to vector<4096xi32>
    %eq3A_32 = arith.cmpi eq, %and3A_21, %eq3A_31 : vector<4096xi32>
    %eq3A_33 = arith.constant 4 : i32
    %eq3A_34 = vector.broadcast %eq3A_33 : i32 to vector<4096xi32>
    %eq3A_35 = arith.cmpi eq, %and3A_21, %eq3A_34 : vector<4096xi32>
    %eq3A_36 = arith.constant 5 : i32
    %eq3A_37 = vector.broadcast %eq3A_36 : i32 to vector<4096xi32>
    %eq3A_38 = arith.cmpi eq, %and3A_21, %eq3A_37 : vector<4096xi32>
    %eq3A_39 = arith.constant 6 : i32
    %eq3A_40 = vector.broadcast %eq3A_39 : i32 to vector<4096xi32>
    %eq3A_41 = arith.cmpi eq, %and3A_21, %eq3A_40 : vector<4096xi32>
    %jit3A = arith.constant 2 : i32
    %jit3A_42 = arith.constant 4 : i32
    %broadcast_in_dim3A_43 = vector.broadcast %jit3A : i32 to vector<4096xi32>
    %broadcast_in_dim3A_44 = vector.broadcast %jit3A_42 : i32 to vector<4096xi32>
    %select_n3A = arith.select %eq3A_41, %broadcast_in_dim3A_43, %broadcast_in_dim3A_44 : vector<4096xi1>, vector<4096xi32>
    %jit3A_45 = arith.constant 6 : i32
    %broadcast_in_dim3A_46 = vector.broadcast %jit3A_45 : i32 to vector<4096xi32>
    %select_n3A_47 = arith.select %eq3A_38, %broadcast_in_dim3A_46, %select_n3A : vector<4096xi1>, vector<4096xi32>
    %jit3A_48 = arith.constant 1 : i32
    %broadcast_in_dim3A_49 = vector.broadcast %jit3A_48 : i32 to vector<4096xi32>
    %select_n3A_50 = arith.select %eq3A_35, %broadcast_in_dim3A_49, %select_n3A_47 : vector<4096xi1>, vector<4096xi32>
    %jit3A_51 = arith.constant 5 : i32
    %broadcast_in_dim3A_52 = vector.broadcast %jit3A_51 : i32 to vector<4096xi32>
    %select_n3A_53 = arith.select %eq3A_32, %broadcast_in_dim3A_52, %select_n3A_50 : vector<4096xi1>, vector<4096xi32>
    %jit3A_54 = arith.constant 3 : i32
    %broadcast_in_dim3A_55 = vector.broadcast %jit3A_54 : i32 to vector<4096xi32>
    %select_n3A_56 = arith.select %eq3A_29, %broadcast_in_dim3A_55, %select_n3A_53 : vector<4096xi1>, vector<4096xi32>
    %jit3A_57 = arith.constant 7 : i32
    %broadcast_in_dim3A_58 = vector.broadcast %jit3A_57 : i32 to vector<4096xi32>
    %select_n3A_59 = arith.select %eq3A_26, %broadcast_in_dim3A_58, %select_n3A_56 : vector<4096xi1>, vector<4096xi32>
    %jit3A_60 = arith.constant 0 : i32
    %broadcast_in_dim3A_61 = vector.broadcast %jit3A_60 : i32 to vector<4096xi32>
    %select_n3A_62 = arith.select %eq3A_23, %broadcast_in_dim3A_61, %select_n3A_59 : vector<4096xi1>, vector<4096xi32>
    %shift_left3A = arith.constant 7 : i32
    %shift_left3A_63 = vector.broadcast %shift_left3A : i32 to vector<4096xi32>
    %shift_left3A_64 = arith.shli %select_n3A_62, %shift_left3A_63 : vector<4096xi32>
    %shift_right_arithmetic3A = arith.constant 3 : i32
    %shift_right_arithmetic3A_65 = vector.broadcast %shift_right_arithmetic3A : i32 to vector<4096xi32>
    %shift_right_arithmetic3A_66 = arith.shrsi %argmin3A, %shift_right_arithmetic3A_65 : vector<4096xi32>
    %or3A = arith.ori %shift_left3A_64, %shift_right_arithmetic3A_66 : vector<4096xi32>
    %reshape3A = vector.shape_cast %or3A : vector<4096xi32> to vector<1x1x1x4096xi32>
    %swap3A = arith.constant 0 : index
    %swap3A_67 = arith.constant 0 : index
    %swap3A_68 = arith.constant 0 : index
    %swap3A_69 = arith.constant 0 : index
    %swap3A_70 = vector.load %arg4[%swap3A, %swap3A_67, %swap3A_68, %swap3A_69] : memref<1x1x1x4096xi32, #tpu.memory_space<vmem>>, vector<1x1x1x4096xi32>
    tpu.vector_store %arg4[%swap3A, %swap3A_67, %swap3A_68, %swap3A_69], %reshape3A {strides = array<i32>} : memref<1x1x1x4096xi32, #tpu.memory_space<vmem>>, vector<1x1x1x4096xi32>,
    %reduce_sum3A_71 = vector.shape_cast %reduce_min3A_19 : vector<4096xf32> to vector<1x4096xf32>
    %reduce_sum3A_72 = arith.constant dense<0.000000e+00> : vector<1xf32>
    %reduce_sum3A_73 = vector.multi_reduction <add>, %reduce_sum3A_71, %reduce_sum3A_72 [1] : vector<1x4096xf32> to vector<1xf32>
    %reduce_sum3A_74 = vector.shape_cast %reduce_sum3A_73 : vector<1xf32> to vector<1x1xf32>
    %reduce_sum3A_75 = vector.extract %reduce_sum3A_74[0, 0] : f32 from vector<1x1xf32>
    %eq3A_76 = arith.constant 0 : i32
    %eq3A_77 = arith.cmpi eq, %arg0, %eq3A_76 : i32
    %eq3A_78 = arith.constant 0 : i32
    %eq3A_79 = arith.cmpi eq, %arg1, %eq3A_78 : i32
    %and3A_80 = arith.andi %eq3A_77, %eq3A_79 : i1
    %convert_element_type3A = arith.extui %and3A_80 : i1 to i32
    %cond3A = arith.constant 0 : i32
    %cond3A_81 = arith.cmpi ne, %convert_element_type3A, %cond3A : i32
    scf.if %cond3A_81 {
      %swap3A_89 = arith.constant 0.000000e+00 : f32
      %swap3A_90 = arith.constant 0 : index
      %swap3A_91 = arith.constant 0 : index
      %swap3A_92 = memref.load %arg5[%swap3A_90, %swap3A_91] : memref<1x1xf32, #tpu.memory_space<smem>>
      memref.store %swap3A_89, %arg5[%swap3A_90, %swap3A_91] : memref<1x1xf32, #tpu.memory_space<smem>>
    } else {
    }
    %get3A_82 = arith.constant 0 : index
    %get3A_83 = arith.constant 0 : index
    %get3A_84 = memref.load %arg5[%get3A_82, %get3A_83] : memref<1x1xf32, #tpu.memory_space<smem>>
    %add3A_85 = arith.addf %get3A_84, %reduce_sum3A_75 : f32
    %swap3A_86 = arith.constant 0 : index
    %swap3A_87 = arith.constant 0 : index
    %swap3A_88 = memref.load %arg5[%swap3A_86, %swap3A_87] : memref<1x1xf32, #tpu.memory_space<smem>>
    memref.store %add3A_85, %arg5[%swap3A_86, %swap3A_87] : memref<1x1xf32, #tpu.memory_space<smem>>
    return
  }
  func.func @transform_0(%arg0: i32, %arg1: i32) -> (i32, i32, i32) {
    %c0_i32 = arith.constant 0 : i32
    %c0_i32_0 = arith.constant 0 : i32
    return %arg0, %c0_i32, %arg1 : i32, i32, i32
  }
  func.func @transform_1(%arg0: i32, %arg1: i32) -> (i32, i32) {
    %c0_i32 = arith.constant 0 : i32
    %c0_i32_0 = arith.constant 0 : i32
    %c0_i32_1 = arith.constant 0 : i32
    return %c0_i32, %c0_i32_0 : i32, i32
  }
  func.func @transform_2(%arg0: i32, %arg1: i32) -> (i32, i32, i32, i32) {
    %c0_i32 = arith.constant 0 : i32
    %c0_i32_0 = arith.constant 0 : i32
    %c0_i32_1 = arith.constant 0 : i32
    return %arg0, %arg1, %c0_i32, %c0_i32_0 : i32, i32, i32, i32
  }
  func.func @transform_3(%arg0: i32, %arg1: i32) -> (i32, i32) {
    %c0_i32 = arith.constant 0 : i32
    %c0_i32_0 = arith.constant 0 : i32
    %c0_i32_1 = arith.constant 0 : i32
    return %c0_i32, %c0_i32_0 : i32, i32
  }
}

</mosaic_0001>

<sc_bundles>
// kernel: kernel.4.cloned.1.call-start
scs
__scs_entry_jumppad:
0x0: {  	(pc) =	sbr.rel $0x88, $3  }
0x1: {  	(tag) =	ssettag $0x0;
	lr =	simm.s32 $0x1  }
0x2: {  	[smem:$0x3F9F] =	sst lr;
	_ =	strace $0xD0000000  }
0x3: {  	_ = 	snop  }
0x4: {  	_ = 	snop  }
0x5: {  	_ = 	snop  }
0x6: {  	_ = 	snop  }
0x7: {  	_ = 	snop  }
__scs_overlays_trampoline_lowered:
0x8: {  	[smem:$0x3FAE] =	sst s0  }
0x9: {  	[smem:$0x3FAF] =	sst s1  }
0xa: {  	[smem:$0x3FB0] =	sst s2  }
0xb: {  	[smem:$0x3FB1] =	sst s3  }
0xc: {  	[smem:$0x3FB2] =	sst s4  }
0xd: {  	[smem:$0x3FB3] =	sst s5  }
0xe: {  	[smem:$0x3FB4] =	sst s6  }
0xf: {  	[smem:$0x3FB5] =	sst s7  }
0x10: {  	[smem:$0x3FB6] =	sst s8  }
0x11: {  	[smem:$0x3FB7] =	sst s9;
	s0 =	simm.s32 @!p0 $0x0  }
0x12: {  	s1 =	sld [smem:$0x3F9D];
	s0 =	simm.s32 @p0 $0x1  }
0x13: {  	[smem:$0x3FB8] =	sst s0;
	s0 =	simm.s32 @!p1 $0x0  }
0x14: {  	s2 =	sld [smem:$0x3F9C];
	s0 =	simm.s32 @p1 $0x1  }
0x15: {  	[smem:$0x3FB9] =	sst s0;
	s0 =	simm.s32 @!p2 $0x0  }
0x16: {  	s3 =	sld [smem:$0x3FDB];
	s0 =	simm.s32 @p2 $0x1  }
0x17: {  	s4 =	simm.s32 $0x1BF5;
	[smem:$0x3FBB] =	sst s0  }
0x18: {  	s0 =	sld [smem:$0x3F9E];
	_ =	swait.ge [sflag:s4], $0x0  }
0x19: {  	s7 =	sld [smem:$0x3F9F]  }
0x1a: {  	s8 =	sadd.s32 $0xFFFFE003, lr  }
0x1b: {  	s9 =	sadd.s32 $0xFFFFFEF7, lr;
	s5 =	simm.s32 $0xFFFFFFFF;
	p2 =	slt.u32 s8, $0xFFFFF086  }
0x1c: {  	p1 =	slt.u32 s9, $0xF7A;
	s5 =	simm.s32 @!p2 $0x0  }
0x1d: {  	s5 =	simm.s32 @p1 $0x1;
	p0 =	seq.s32 s7, s2  }
0x1e: {  	s7 =	smul.u32 @!p0 $0xF7A, s2;
	p2 =	seq.s32 @!p0 s5, $0x0  }
0x1f: {  	s9 =	smul.u32 $0xF7A, s1;
	s8 =	simm.s32 @!p0 $0x1BF5;
	p2 =	por !p2, p0  }
0x20: {  	[sflag:s8] =	ssyncset.s32 @!p0 $0xFFFFF086;
	s6 =	sadd.s32 @!p0 s3, s7;
	s7 =	simm.s32 @!p0 $0x108  }
0x21: {  	s3 =	sadd.s32 s3, s9;
	s6 =	sadd.s32 @!p0 $0x88, s6;
	s7 =	simm.s32 @p2 $0x1082  }
0x22: {  	[simem:s7], [sflag:s8] =	dma.local @!p0 [hbm:s6], $0xF7A  }
0x23: {  	s9 =	sor.u32 $0xD0000000, s2;
	s6 =	simm.s32 $0x108;
	_ =	swait.ge @!p0 [sflag:s8], $0x0  }
0x24: {  	s3 =	sadd.s32 $0x88, s3;
	s6 =	simm.s32 @!p1 $0x1082;
	[sflag:s4] =	ssyncset.s32 $0xFFFFF086  }
0x25: {  	[simem:s6], [sflag:s4] =	dma.local [hbm:s3], $0xF7A  }
0x26: {  	[smem:$0x3F9F] =	sst s1;
	(tag) =	ssettag s2;
	_ =	strace s9  }
0x27: {  	s1 =	sld [smem:$0x3FAF]  }
0x28: {  	s2 =	sld [smem:$0x3FB0]  }
0x29: {  	s4 =	sld [smem:$0x3FB2]  }
0x2a: {  	p0 =	seq.s32 s5, $0x0;
	s5 =	sld [smem:$0x3FB3]  }
0x2b: {  	s6 =	sld [smem:$0x3FB4]  }
0x2c: {  	s7 =	sld [smem:$0x3FB5]  }
0x2d: {  	s3 =	simm.s32 $0x108;
	s8 =	sld [smem:$0x3FB6]  }
0x2e: {  	s3 =	simm.s32 @!p0 $0x1082;
	s9 =	sld [smem:$0x3FB7]  }
0x2f: {  	lr =	sadd.s32 s0, s3;
	s0 =	sld [smem:$0x3FAE]  }
0x30: {  	s3 =	sld [smem:$0x3FB1]  }
0x31: {  	[smem:$0x3FBA] =	sst s10  }
0x32: {  	s10 =	sld [smem:$0x3FB8];
	_ =	sdelay $0x3  }
0x33: {  	p0 =	seq.s32 s10, $0x1;
	s10 =	sld [smem:$0x3FBA];
	_ =	sdelay $0x3  }
0x34: {  	[smem:$0x3FBA] =	sst s10  }
0x35: {  	s10 =	sld [smem:$0x3FB9];
	_ =	sdelay $0x3  }
0x36: {  	p1 =	seq.s32 s10, $0x1;
	s10 =	sld [smem:$0x3FBA];
	_ =	sdelay $0x3  }
0x37: {  	[smem:$0x3FBA] =	sst s10  }
0x38: {  	s10 =	sld [smem:$0x3FBB]  }
0x39: {  	_ = 	snop;
	(pc) =	sbr.ind lr, $3  }
0x3a: {  	_ = 	snop  }
0x3b: {  	_ = 	snop  }
0x3c: {  	p2 =	seq.s32 s10, $0x1;
	s10 =	sld [smem:$0x3FBA]  }
0x3d: {  	_ =	shalt  }
0x3e: {  	_ =	shalt  }
0x3f: {  	_ =	shalt  }
0x40: {  	_ =	shalt  }
0x41: {  	_ =	shalt  }
0x42: {  	_ =	shalt  }
0x43: {  	_ =	shalt  }
0x44: {  	_ =	shalt  }
0x45: {  	_ =	shalt  }
0x46: {  	_ =	shalt  }
0x47: {  	_ =	shalt  }
0x48: {  	_ =	shalt  }
0x49: {  	_ =	shalt  }
0x4a: {  	_ =	shalt  }
0x4b: {  	_ =	shalt  }
0x4c: {  	_ =	shalt  }
0x4d: {  	_ =	shalt  }
0x4e: {  	_ =	shalt  }
0x4f: {  	_ =	shalt  }
0x50: {  	_ =	shalt  }
0x51: {  	_ =	shalt  }
0x52: {  	_ =	shalt  }
0x53: {  	_ =	shalt  }
0x54: {  	_ =	shalt  }
0x55: {  	_ =	shalt  }
0x56: {  	_ =	shalt  }
0x57: {  	_ =	shalt  }
0x58: {  	_ =	shalt  }
0x59: {  	_ =	shalt  }
0x5a: {  	_ =	shalt  }
0x5b: {  	_ =	shalt  }
0x5c: {  	_ =	shalt  }
0x5d: {  	_ =	shalt  }
0x5e: {  	_ =	shalt  }
0x5f: {  	_ =	shalt  }
0x60: {  	_ =	shalt  }
0x61: {  	_ =	shalt  }
0x62: {  	_ =	shalt  }
0x63: {  	_ =	shalt  }
0x64: {  	_ =	shalt  }
0x65: {  	_ =	shalt  }
0x66: {  	_ =	shalt  }
0x67: {  	_ =	shalt  }
0x68: {  	_ =	shalt  }
0x69: {  	_ =	shalt  }
0x6a: {  	_ =	shalt  }
0x6b: {  	_ =	shalt  }
0x6c: {  	_ =	shalt  }
0x6d: {  	_ =	shalt  }
0x6e: {  	_ =	shalt  }
0x6f: {  	_ =	shalt  }
0x70: {  	_ =	shalt  }
0x71: {  	_ =	shalt  }
0x72: {  	_ =	shalt  }
0x73: {  	_ =	shalt  }
0x74: {  	_ =	shalt  }
0x75: {  	_ =	shalt  }
0x76: {  	_ =	shalt  }
0x77: {  	_ =	shalt  }
0x78: {  	_ =	shalt  }
0x79: {  	_ =	shalt  }
0x7a: {  	_ =	shalt  }
0x7b: {  	_ =	shalt  }
0x7c: {  	_ =	shalt  }
0x7d: {  	_ =	shalt  }
0x7e: {  	_ =	shalt  }
0x7f: {  	_ =	shalt  }
0x80: {  	_ =	shalt  }
0x81: {  	_ =	shalt  }
0x82: {  	_ =	shalt  }
0x83: {  	_ =	shalt  }
0x84: {  	_ =	shalt  }
0x85: {  	_ =	shalt  }
0x86: {  	_ =	shalt  }
0x87: {  	_ =	shalt  }
.Lfunc_end0:
.L_simem_size_0:
called_computation_lowered:
.L_overlay_start_0:
0x88: {  	s2 =	sld [smem:$0x3FD9]  }
0x89: {  	s3 =	sld [smem:$0x3FFE];
	_ =	sdelay $0x1  }
0x8a: {  	s1 =	srdreg.scid  }
0x8b: {  	s0 =	sand.u32 $0x1, s1  }
0x8c: {  	s14 =	sshll.u32 s0, $0xA;
	s2 =	sadd.s32 s3, s2  }
0x8d: {  	s2 =	sadd.s32 s2, s14  }
0x8e: {  	[smem:$0x3FC6] =	sst s2  }
0x8f: {  	_ = 	snop  }
0x90: {  	s2 =	sld [smem:$0x3FD0];
	_ =	sdelay $0x2  }
0x91: {  	s15 =	simm.s32 $0xA;
	s4 =	simm.s32 $0x10  }
0x92: {  	[smem:s4], [sflag:s15] =	dma.local [hbm:s2], $0x1  }
0x93: {  	_ =	swait.eq [sflag:s15], $0x1  }
0x94: {  	[sflag:s15] =	ssyncset.done $0x0  }
0x95: {  	[sflag:s15] =	ssyncadd.s32 $0xFFFFFFFF  }
0x96: {  	s16 =	sld [smem:$0x10];
	(tm) =	ssettm $0x1  }
0x97: {  	s17 =	sld [smem:$0x3FFB];
	_ =	sdelay $0x3  }
0x98: {  	_ =	strace s17  }
0x99: {  	s3 =	sld [smem:$0x3FFC];
	_ =	sdelay $0x3  }
0x9a: {  	_ =	strace s3  }
0x9b: {  	s3 =	sld [smem:$0x3FFD];
	_ =	sdelay $0x3  }
0x9c: {  	_ =	strace s3  }
0x9d: {  	_ =	strace $0x8FFFFFFF  }
0x9e: {  	s18 =	sld [smem:$0x3FDB];
	_ =	sdelay $0x1  }
0x9f: {  	s19 =	simm.s32 $_scs_section_size  }
0xa0: {  	s5 =	simm.s32 $_size__tile_overlayer_lowered;
	s6 =	simm.s32 $_tile_overlayer_lowered  }
0xa1: {  	s22 =	simm.s32 $0x1BFF;
	s21 =	sshll.u32 s6, $0x1;
	s3 =	sadd.s32 s19, s18  }
0xa2: {  	s7 =	simm.s32 $0x0;
	s20 =	sshll.u32 s5, $0x1;
	s5 =	sadd.s32 s21, s3  }
0xa3: {  	[timem:s7], [sflag:s22] =	dma.local [hbm:s5], s20  }
0xa4: {  	_ =	swait.ge [sflag:s22], s20  }
0xa5: {  	s4 =	ssub.s32 $0x0, s20;
	[sflag:s22] =	ssyncset.done $0x0  }
0xa6: {  	[sflag:s22] =	ssyncadd.s32 s4;
	_ =	sdelay $0x1  }
0xa7: {  	s23 =	simm.s32 $0x1B8B  }
0xa8: {  	_ =	swait.ge [sflag:s23], $0x1  }
0xa9: {  	[sflag:s23] =	ssyncset.done $0x0  }
0xaa: {  	s25 =	simm.s32 $0x1B8E;
	s24 =	sld [smem:$0x3FFE];
	[sflag:s23] =	ssyncadd.s32 $0xFFFFFFFF  }
0xab: {  	s26 =	simm.s32 $execute0_lowered;
	[smem:$0x3FD2] =	sst s25  }
0xac: {  	s5 =	sshll.u32 s26, $0x1;
	_ =	strace $0x80000046;
	[dreg:$0x1] =	wrdreg $0xFFFFFFFF  }
0xad: {  	s28 =	simm.s32 $_size_execute0_lowered;
	s3 =	sadd.s32 s3, s5;
	[dreg:$0x0] =	wrdreg $0x0  }
0xae: {  	s5 =	sshll.u32 s28, $0x1;
	[dreg:$0x2] =	wrdreg s3  }
0xaf: {  	[dreg:$0x3] =	wrdreg s5  }
0xb0: {  	[dreg:$0x4] =	wrdreg $0xC0  }
0xb1: {  	_ =	task [dreg:s7], $0x5FFFF  }
0xb2: {  	[dreg:$0x1] =	wrdreg $0xFFFFFFFF  }
0xb3: {  	[dreg:$0x0] =	wrdreg $0x60  }
0xb4: {  	[dreg:$0x2] =	wrdreg s16  }
0xb5: {  	[dreg:$0x3] =	wrdreg s24  }
0xb6: {  	[dreg:$0x4] =	wrdreg $0x9  }
0xb7: {  	_ =	task.clear_ibuf [dreg:s7], $0x5FFFF;
	_ =	strace $0x90000046  }
0xb8: {  	s29 =	simm.s32 $0x9;
	_ =	strace $0x80000048  }
0xb9: {  	_ =	swait.ge [sflag:s29], $0x1  }
0xba: {  	[sflag:s29] =	ssyncadd.s32 $0xFFFFFFFF  }
0xbb: {  	_ =	strace $0x90000048  }
0xbc: {  	_ =	sfence  }
0xbd: {  	s30 =	sld [smem:$0x0];
	_ =	sdelay $0x2  }
0xbe: {  	s31 =	sshll.u32 s1, $0xD;
	s1 =	sshrl.u32 s1, $0x2  }
0xbf: {  	s3 =	sand.u32 $0x4000, s31;
	s1 =	sadd.s32 s1, s30  }
0xc0: {  	s0 =	sor.u32 s3, s0;
	s1 =	sshll.u32 s1, $0x11  }
0xc1: {  	s0 =	sor.u32 s1, s0  }
0xc2: {  	s0 =	sadd.s32 $0x8F2B, s0  }
0xc3: {  	[sflag:s0] =	ssyncadd.remote.s32 $0x1  }
0xc4: {  	_ =	sfence.sel $0xFFFF  }
0xc5: {  	[dreg:$0x0] =	wrdreg $0xFFFFFFFF;
	(pc) =	sbr.abs _section_cstart, $3  }
0xc6: {  	[dreg:$0x1] =	wrdreg $0xFFFFFFFF  }
0xc7: {  	_ =	task.clear_ibuf [dreg:s7], $0x2FFFF;
	_ =	strace $0x9FFFFFFF  }
0xc8: {  	(tm) =	ssettm $0x7FFFFFFF  }
0xc9: {  	_ =	shalt  }
tec
execute0_lowered:
.L_overlay_start_1:
0x0: {  	(tag) =	ssettag $0x1  }
0x1: {  	s2 =	rddreg [dreg:$0x0]  }
0x2: {  	s1 =	srdreg.scid;
	s0 =	stileid.u32  }
0x3: {  	s22 =	rddreg [dreg:$0x1];
	s23 =	sand.u32 $0x1, s1;
	s4 =	sshll.u32 s0, $0x1  }
0x4: {  	s3 =	simm.s32 $0x0;
	s1 =	rddreg [dreg:$0x2];
	s24 =	sor.u32 s23, s4  }
0x5: {  	[smem:$0x7FF] =	sst s3;
	s4 =	sshll.u32 s24, $0x7  }
0x6: {  	_ =	strace $0x80000047;
	s5 =	sadd.s32 s22, s4;
	s4 =	simm.s32 $0x2  }
0x7: {  	[tilespmem:s3], [sflag:$0x2] =	stream.linear.gather [hbm4b:s5+s3], $0x400, $0x38;
	[tilespmem:$0x10400] =	vst v63  }
0x8: {  	_ =	swait.ge [sflag:s4], $0x400  }
0x9: {  	[sflag:s4] =	ssyncset.done $0x0  }
0xa: {  	s6 =	simm.s32 $0x80;
	s7 =	simm.s32 $0x400;
	[sflag:s4] =	ssyncadd.s32 $0xFFFFFC00  }
0xb: {  	[tilespmem:s7], [sflag:$0x1] =	stream.indirect.gather [hbm4b:s2+s6], $0x40, s3, s6, $0xb8;
	[tilespmem:$0x10400] =	vst v63  }
0xc: {  	s8 =	simm.s32 $0x2400  }
0xd: {  	[tilespmem:s8], [sflag:$0x1] =	stream.indirect.gather [hbm4b:s2+s6], $0x40, s6, s6, $0xb8;
	[tilespmem:$0x10400] =	vst v63  }
0xe: {  	s9 =	simm.s32 $0x100;
	s10 =	simm.s32 $0x4400  }
0xf: {  	[tilespmem:s10], [sflag:$0x1] =	stream.indirect.gather [hbm4b:s2+s6], $0x40, s9, s6, $0xb8;
	[tilespmem:$0x10400] =	vst v63  }
0x10: {  	s11 =	simm.s32 $0x180;
	s12 =	simm.s32 $0x6400  }
0x11: {  	[tilespmem:s12], [sflag:$0x1] =	stream.indirect.gather [hbm4b:s2+s6], $0x40, s11, s6, $0xb8;
	[tilespmem:$0x10400] =	vst v63  }
0x12: {  	s13 =	simm.s32 $0x200;
	s14 =	simm.s32 $0x8400  }
0x13: {  	[tilespmem:s14], [sflag:$0x1] =	stream.indirect.gather [hbm4b:s2+s6], $0x40, s13, s6, $0xb8;
	[tilespmem:$0x10400] =	vst v63  }
0x14: {  	s15 =	simm.s32 $0x280;
	s16 =	simm.s32 $0xA400  }
0x15: {  	[tilespmem:s16], [sflag:$0x1] =	stream.indirect.gather [hbm4b:s2+s6], $0x40, s15, s6, $0xb8;
	[tilespmem:$0x10400] =	vst v63  }
0x16: {  	s17 =	simm.s32 $0x300;
	s18 =	simm.s32 $0xC400  }
0x17: {  	[tilespmem:s18], [sflag:$0x1] =	stream.indirect.gather [hbm4b:s2+s6], $0x40, s17, s6, $0xb8;
	[tilespmem:$0x10400] =	vst v63  }
0x18: {  	s19 =	simm.s32 $0x380;
	s20 =	simm.s32 $0xE400;
	s21 =	simm.s32 $0x1  }
0x19: {  	[tilespmem:s20], [sflag:$0x1] =	stream.indirect.gather [hbm4b:s2+s6], $0x40, s19, s6, $0xb8;
	[tilespmem:$0x10400] =	vst v63  }
0x1a: {  	_ =	swait.ge [sflag:s21], $0x2000  }
0x1b: {  	[sflag:s21] =	ssyncset.done $0x0  }
0x1c: {  	[sflag:s21] =	ssyncadd.s32 $0xFFFFE000  }
0x1d: {  	_ =	swait.ge [sflag:s21], $0x2000  }
0x1e: {  	[sflag:s21] =	ssyncset.done $0x0  }
0x1f: {  	[sflag:s21] =	ssyncadd.s32 $0xFFFFE000  }
0x20: {  	_ =	swait.ge [sflag:s21], $0x2000  }
0x21: {  	[sflag:s21] =	ssyncset.done $0x0  }
0x22: {  	[sflag:s21] =	ssyncadd.s32 $0xFFFFE000  }
0x23: {  	_ =	swait.ge [sflag:s21], $0x2000  }
0x24: {  	[sflag:s21] =	ssyncset.done $0x0  }
0x25: {  	[sflag:s21] =	ssyncadd.s32 $0xFFFFE000  }
0x26: {  	_ =	swait.ge [sflag:s21], $0x2000  }
0x27: {  	[sflag:s21] =	ssyncset.done $0x0  }
0x28: {  	[sflag:s21] =	ssyncadd.s32 $0xFFFFE000  }
0x29: {  	_ =	swait.ge [sflag:s21], $0x2000  }
0x2a: {  	[sflag:s21] =	ssyncset.done $0x0  }
0x2b: {  	s23 =	ssub.s32 $0x2, s23;
	[sflag:s21] =	ssyncadd.s32 $0xFFFFE000  }
0x2c: {  	s25 =	sshrl.u32 s23, $0x1;
	_ =	swait.ge [sflag:s21], $0x2000  }
0x2d: {  	s23 =	ssub.s32 s23, s25;
	[sflag:s21] =	ssyncset.done $0x0  }
0x2e: {  	s23 =	smax.u32 s23, $0x1;
	[sflag:s21] =	ssyncadd.s32 $0xFFFFE000  }
0x2f: {  	s24 =	sshll.u32 s24, $0xD;
	p0 =	sne.s32 s23, $0x1;
	_ =	swait.ge [sflag:s21], $0x2000  }
.Ltmp0:
0x30: {  	s22 =	sadd.s32 s24, s22;
	[sflag:s21] =	ssyncset.done $0x0;
	(pc) =	sbr.rel @!p0 .LBB2_2-.Ltmp0, $4  }
0x31: {  	s22 =	sadd.s32 $0x1000, s22;
	[sflag:s21] =	ssyncadd.s32 $0xFFFFE000  }
0x32: {  	[hbm4b:s22+s3] =	stream.linear.scatter [tilespmem:s7], [sflag:$0x2], $0x10000, $0x38;
	[tilespmem:$0x10400] =	vst v63  }
0x33: {  	_ =	swait.ge [sflag:s4], $0x10000  }
0x34: {  	s23 =	sadd.s32 $0xFFFFFFFF, s23;
	[sflag:s4] =	ssyncset.done $0x0  }
.LBB2_1:
0x35: {  	p0 =	sne.s32 s23, $0x1;
	s23 =	sadd.s32 $0xFFFFFFFF, s23;
	[sflag:s4] =	ssyncadd.s32 $0xFFFF0000  }
0x36: {  	[tilespmem:s3], [sflag:$0x2] =	stream.linear.gather [hbm4b:s5+s3], $0x400, $0x38;
	[tilespmem:$0x10400] =	vst v63  }
0x37: {  	_ =	swait.ge [sflag:s4], $0x400  }
0x38: {  	[sflag:s4] =	ssyncset.done $0x0  }
0x39: {  	[sflag:s4] =	ssyncadd.s32 $0xFFFFFC00  }
0x3a: {  	[tilespmem:s7], [sflag:$0x1] =	stream.indirect.gather [hbm4b:s2+s6], $0x40, s3, s6, $0xb8;
	[tilespmem:$0x10400] =	vst v63  }
0x3b: {  	_ = 	snop  }
0x3c: {  	[tilespmem:s8], [sflag:$0x1] =	stream.indirect.gather [hbm4b:s2+s6], $0x40, s6, s6, $0xb8;
	[tilespmem:$0x10400] =	vst v63  }
0x3d: {  	_ = 	snop  }
0x3e: {  	[tilespmem:s10], [sflag:$0x1] =	stream.indirect.gather [hbm4b:s2+s6], $0x40, s9, s6, $0xb8;
	[tilespmem:$0x10400] =	vst v63  }
0x3f: {  	_ = 	snop  }
0x40: {  	[tilespmem:s12], [sflag:$0x1] =	stream.indirect.gather [hbm4b:s2+s6], $0x40, s11, s6, $0xb8;
	[tilespmem:$0x10400] =	vst v63  }
0x41: {  	_ = 	snop  }
0x42: {  	[tilespmem:s14], [sflag:$0x1] =	stream.indirect.gather [hbm4b:s2+s6], $0x40, s13, s6, $0xb8;
	[tilespmem:$0x10400] =	vst v63  }
0x43: {  	_ = 	snop  }
0x44: {  	[tilespmem:s16], [sflag:$0x1] =	stream.indirect.gather [hbm4b:s2+s6], $0x40, s15, s6, $0xb8;
	[tilespmem:$0x10400] =	vst v63  }
0x45: {  	_ = 	snop  }
0x46: {  	[tilespmem:s18], [sflag:$0x1] =	stream.indirect.gather [hbm4b:s2+s6], $0x40, s17, s6, $0xb8;
	[tilespmem:$0x10400] =	vst v63  }
0x47: {  	_ = 	snop  }
0x48: {  	[tilespmem:s20], [sflag:$0x1] =	stream.indirect.gather [hbm4b:s2+s6], $0x40, s19, s6, $0xb8;
	[tilespmem:$0x10400] =	vst v63  }
0x49: {  	_ =	swait.ge [sflag:s21], $0x2000  }
0x4a: {  	[sflag:s21] =	ssyncset.done $0x0  }
0x4b: {  	[sflag:s21] =	ssyncadd.s32 $0xFFFFE000  }
0x4c: {  	_ =	swait.ge [sflag:s21], $0x2000  }
0x4d: {  	[sflag:s21] =	ssyncset.done $0x0  }
0x4e: {  	[sflag:s21] =	ssyncadd.s32 $0xFFFFE000  }
0x4f: {  	_ =	swait.ge [sflag:s21], $0x2000  }
0x50: {  	[sflag:s21] =	ssyncset.done $0x0  }
0x51: {  	[sflag:s21] =	ssyncadd.s32 $0xFFFFE000  }
0x52: {  	_ =	swait.ge [sflag:s21], $0x2000  }
0x53: {  	[sflag:s21] =	ssyncset.done $0x0  }
0x54: {  	[sflag:s21] =	ssyncadd.s32 $0xFFFFE000  }
0x55: {  	_ =	swait.ge [sflag:s21], $0x2000  }
0x56: {  	[sflag:s21] =	ssyncset.done $0x0  }
0x57: {  	[sflag:s21] =	ssyncadd.s32 $0xFFFFE000  }
0x58: {  	_ =	swait.ge [sflag:s21], $0x2000  }
0x59: {  	[sflag:s21] =	ssyncset.done $0x0  }
0x5a: {  	[sflag:s21] =	ssyncadd.s32 $0xFFFFE000  }
0x5b: {  	_ =	swait.ge [sflag:s21], $0x2000  }
0x5c: {  	[sflag:s21] =	ssyncset.done $0x0  }
0x5d: {  	[sflag:s21] =	ssyncadd.s32 $0xFFFFE000  }
0x5e: {  	_ =	swait.ge [sflag:s21], $0x2000  }
.Ltmp1:
0x5f: {  	[sflag:s21] =	ssyncset.done $0x0;
	(pc) =	sbr.rel @p0 .LBB2_1-.Ltmp1, $4  }
0x60: {  	[sflag:s21] =	ssyncadd.s32 $0xFFFFE000  }
0x61: {  	[hbm4b:s22+s3] =	stream.linear.scatter [tilespmem:s7], [sflag:$0x2], $0x10000, $0x38;
	[tilespmem:$0x10400] =	vst v63  }
0x62: {  	_ =	swait.ge [sflag:s4], $0x10000  }
0x63: {  	[sflag:s4] =	ssyncset.done $0x0  }
.LBB2_2:
0x64: {  	[sflag:s4] =	ssyncadd.s32 $0xFFFF0000  }
0x65: {  	_ =	sfence.sel $0x180000  }
0x66: {  	[bflag:$0x0] =	sbarrier.arrive $0xFFFF  }
0x67: {  	p0 =	sne.s32 s0, $0x0;
	_ =	strace $0x90000047  }
0x68: {  	s0 =	sadd.s32 @!p0 $0x100000, s1;
	[bflag:$0x2] =	sbarrier.arrive $0xFFFF  }
0x69: {  	[sflag:s0] =	ssyncadd.tile.s32 @!p0 $0x1;
	_ =	shalt  }
.Lfunc_end2:
_tile_overlayer_lowered:
.L_overlay_start_2:
0x6a: {  	(tag) =	ssettag $0x2  }
0x6b: {  	s0 =	rddreg [dreg:$0x0];
	s2 =	stileid.u32  }
0x6c: {  	s1 =	rddreg [dreg:$0x1];
	p0 =	sne.s32 s2, $0x0  }
0x6d: {  	s3 =	rddreg [dreg:$0x2];
	[bflag:$0x3] =	sbarrier.arrive $0xFFFF;
	s2 =	simm.s32 @!p0 $0x1C02  }
0x6e: {  	[timem:s3], [sflag:s2] =	dma.local @!p0 [hbm:s0], s1  }
0x6f: {  	s0 =	simm.s32 @!p0 $0x2  }
0x70: {  	_ =	swait.ge @!p0 [sflag:s0], s1  }
0x71: {  	s1 =	ssub.s32 @!p0 $0x0, s1;
	[sflag:s0] =	ssyncset.done @!p0 $0x0  }
0x72: {  	[sflag:s0] =	ssyncadd.s32 @!p0 s1  }
0x73: {  	[bflag:$0x3] =	sbarrier.arrive $0xFFFF  }
0x74: {  	_ =	shalt  }

</sc_bundles>
